<compile_context>
chip_gen: v7x
topology: tpu7x:2x2x1
jax: 0.10.2.dev20260603
libtpu: 0.0.44.dev20260713+nightly
codegen_flags: <defaults>
</compile_context>

<pallas_src>
import functools

import jax
import jax.numpy as jnp
from jax import lax
from jax.experimental import pallas as pl
from jax.experimental.pallas import tpu as pltpu
from jax.experimental.pallas import tpu_sc as plsc

N_NODES = 50000
D = 64
HALF = 32
N_LAYERS = 3
NC, NS = 2, 16
LANES = 16
EB = 128
KB = 4
E = 800000

ACC_ROWS = 50016
RPT = ACC_ROWS // NS

KU = 2
UB = KU * EB
RB, IB, UNROLL = 3, 6, 6
_LCH = NS * UB * UNROLL
E_PAD = ((E + _LCH - 1) // _LCH) * _LCH
NB = E_PAD // (NS * UB)

_DCH = NC * NS * KB * EB
E_PAD_D = ((E + _DCH - 1) // _DCH) * _DCH
ROWS_TILE_D = E_PAD_D // (NC * NS * EB)
BLK_TILE_D = ROWS_TILE_D // KB

def _mesh():
    return plsc.VectorSubcoreMesh(core_axis_name="c", subcore_axis_name="s")


def _sc_params():
    return pltpu.CompilerParams(use_tc_tiling_on_sc=False)


def _deg_sc(row_hbm, ones_hbm, zero_hbm, deg_hbm, idx_v, ones_v, sem, acc):
    c = lax.axis_index("c")
    s = lax.axis_index("s")
    wid = s * NC + c
    pltpu.sync_copy(zero_hbm, acc.at[pl.ds(s * RPT, RPT)])
    pltpu.sync_copy(ones_hbm, ones_v)
    plsc.subcore_barrier()

    @pl.loop(0, BLK_TILE_D)
    def _(b):
        r0 = wid * ROWS_TILE_D + b * KB
        pltpu.sync_copy(row_hbm.at[pl.ds(r0, KB)], idx_v)
        for j in range(KB):
            pltpu.sync_copy(ones_v, acc.at[idx_v.at[j]], add=True)

    plsc.subcore_barrier()
    pltpu.sync_copy(acc.at[pl.ds(s * RPT, RPT)], deg_hbm.at[c, pl.ds(s * RPT, RPT)])


def _layer_sc(g_hbm, idx_hbm, zero_hbm, s_hbm, idx, rows, gsem, ssem, isem,
              acc):
    c = lax.axis_index("c")
    s = lax.axis_index("s")
    pltpu.sync_copy(zero_hbm, acc.at[pl.ds(s * RPT, RPT)])
    base = s * NB
    gtab = g_hbm.at[c]

    def pf(j, slot):
        pltpu.async_copy(idx_hbm.at[pl.ds((base + j) * 2 * KU, 2 * KU)],
                         idx.at[slot], isem)

    def wait_idx(j, slot):
        pltpu.make_async_copy(idx_hbm.at[pl.ds((base + j) * 2 * KU, 2 * KU)],
                              idx.at[slot], isem).wait()

    def issue_gathers(slot_i, slot_r):
        for k in range(KU):
            pltpu.async_copy(gtab.at[idx.at[slot_i, k]],
                             rows.at[slot_r].at[pl.ds(k * EB, EB)], gsem)

    def issue_scatters(slot_i, slot_r):
        for k in range(KU):
            pltpu.async_copy(rows.at[slot_r].at[pl.ds(k * EB, EB)],
                             acc.at[idx.at[slot_i, KU + k]], ssem, add=True)

    def wait_gathers(slot_r):
        pltpu.make_async_copy(gtab.at[pl.ds(0, UB)], rows.at[slot_r], gsem).wait()

    def wait_scatters(slot_r):
        pltpu.make_async_copy(rows.at[slot_r], acc.at[pl.ds(0, UB)], ssem).wait()

    plsc.subcore_barrier()
    pf(0, 0)
    pf(1, 1)

    @pl.loop(0, NB // UNROLL)
    def _(t):
        for u in range(UNROLL):
            j = t * UNROLL + u
            rs, isl = u % RB, u % IB

            @pl.when(j >= RB)
            def _():
                wait_scatters(rs)

            wait_idx(j, isl)
            issue_gathers(isl, rs)

            @pl.when(j + 2 < NB)
            def _():
                pf(j + 2, (u + 2) % IB)

            @pl.when(j >= 2)
            def _():
                wait_gathers((u - 2) % RB)
                issue_scatters((u - 2) % IB, (u - 2) % RB)

    for j in range(NB - 2, NB):
        wait_gathers(j % RB)
        issue_scatters(j % IB, j % RB)
    for j in range(NB - RB, NB):
        wait_scatters(j % RB)

    plsc.subcore_barrier()
    pltpu.sync_copy(acc.at[pl.ds(s * RPT, RPT)], s_hbm.at[c, pl.ds(s * RPT, RPT)])


@jax.jit
def _deg_call(row_d):
    ones = jnp.ones((EB, HALF), jnp.float32)
    zero = jnp.zeros((RPT, HALF), jnp.float32)
    return pl.kernel(
        _deg_sc,
        out_type=jax.ShapeDtypeStruct((NC, ACC_ROWS, HALF), jnp.float32),
        mesh=_mesh(),
        scratch_types=[
            pltpu.VMEM((KB, EB), jnp.int32),
            pltpu.VMEM((EB, HALF), jnp.float32),
            pltpu.SemaphoreType.DMA,
            pltpu.VMEM_SHARED((ACC_ROWS, HALF), jnp.float32),
        ],
        compiler_params=_sc_params(),
    )(row_d, ones, zero)


@jax.jit
def _layer_call(g, idx_hbm):
    zero = jnp.zeros((RPT, HALF), jnp.float32)
    return pl.kernel(
        _layer_sc,
        out_type=jax.ShapeDtypeStruct((NC, ACC_ROWS, HALF), jnp.float32),
        mesh=_mesh(),
        scratch_types=[
            pltpu.VMEM((IB, 2 * KU, EB), jnp.int32),
            pltpu.VMEM((RB, UB, HALF), jnp.float32),
            pltpu.SemaphoreType.DMA,
            pltpu.SemaphoreType.DMA,
            pltpu.SemaphoreType.DMA,
            pltpu.VMEM_SHARED((ACC_ROWS, HALF), jnp.float32),
        ],
        compiler_params=_sc_params(),
    )(g, idx_hbm, zero)


NF = N_NODES * HALF // 128
AF = ACC_ROWS * HALF // 128
_BF = 512
_GRIDF = ((NF + _BF - 1) // _BF,)
_spec_f1 = pl.BlockSpec((_BF, 128), lambda i: (i, 0))
_spec_f2 = pl.BlockSpec((NC, _BF, 128), lambda i: (0, i, 0))


def _prep_tc(deg_ref, x_ref, g_ref, dinv_ref):
    dsum = deg_ref[0] + deg_ref[1]
    dinv = jnp.where(dsum > 0, lax.rsqrt(jnp.where(dsum > 0, dsum, 1.0)), 0.0)
    dinv_ref[...] = dinv
    g_ref[0] = x_ref[0] * dinv
    g_ref[1] = x_ref[1] * dinv


def _scale_tc(s_ref, dinv_ref, g_ref):
    d2 = dinv_ref[...] * dinv_ref[...]
    g_ref[0] = s_ref[0] * d2
    g_ref[1] = s_ref[1] * d2


def _final_tc(x_ref, dinv_ref, s1_ref, s2_ref, s3_ref, o_ref):
    d = dinv_ref[...]
    o_ref[0] = 0.25 * (x_ref[0] + d * (s1_ref[0] + s2_ref[0] + s3_ref[0]))
    o_ref[1] = 0.25 * (x_ref[1] + d * (s1_ref[1] + s2_ref[1] + s3_ref[1]))


_F2 = jax.ShapeDtypeStruct((NC, NF, 128), jnp.float32)
_F1 = jax.ShapeDtypeStruct((NF, 128), jnp.float32)


@jax.jit
def _prep_call(deg_f, x_f):
    return pl.pallas_call(
        _prep_tc,
        grid=_GRIDF,
        in_specs=[_spec_f2, _spec_f2],
        out_specs=[_spec_f2, _spec_f1],
        out_shape=[_F2, _F1],
    )(deg_f, x_f)


@jax.jit
def _scale_call(s_f, dinv_f):
    return pl.pallas_call(
        _scale_tc,
        grid=_GRIDF,
        in_specs=[_spec_f2, _spec_f1],
        out_specs=_spec_f2,
        out_shape=_F2,
    )(s_f, dinv_f)


@jax.jit
def _final_call(x_f, dinv_f, s1, s2, s3):
    return pl.pallas_call(
        _final_tc,
        grid=_GRIDF,
        in_specs=[_spec_f2, _spec_f1, _spec_f2, _spec_f2, _spec_f2],
        out_specs=_spec_f2,
        out_shape=_F2,
    )(x_f, dinv_f, s1, s2, s3)


def _to_nodes(a_f):
    return a_f.reshape(NC, N_NODES, HALF)


def _flat(sacc):
    return sacc.reshape(NC, AF, 128)


def kernel(edge_index, emb_weight):
    row = edge_index[0].astype(jnp.int32)
    col = edge_index[1].astype(jnp.int32)
    row_g = jnp.concatenate(
        [row, jnp.zeros((E_PAD - E,), jnp.int32)]).reshape(-1, KU, EB)
    col_s = jnp.concatenate(
        [col, jnp.full((E_PAD - E,), N_NODES, jnp.int32)]).reshape(-1, KU, EB)
    idx_hbm = jnp.concatenate([row_g, col_s], axis=1).reshape(-1, EB)
    row_d = jnp.concatenate(
        [row, jnp.full((E_PAD_D - E,), N_NODES, jnp.int32)]).reshape(-1, EB)

    x_f = emb_weight.reshape(N_NODES, NC, HALF).transpose(1, 0, 2) \
                    .reshape(NC, NF, 128)

    deg = _deg_call(row_d)
    g_f, dinv_f = _prep_call(_flat(deg), x_f)
    s_flat = []
    for layer in range(N_LAYERS):
        sacc = _layer_call(_to_nodes(g_f), idx_hbm)
        s_flat.append(_flat(sacc))
        if layer < N_LAYERS - 1:
            g_f = _scale_call(s_flat[-1], dinv_f)
    out_f = _final_call(x_f, dinv_f, *s_flat)
    return out_f.reshape(NC, N_NODES, HALF).transpose(1, 0, 2) \
                .reshape(N_NODES, D)

# --- scband reference (transcript-rebuilt; emitter-appended) ---
"""Pipeline reference for scband-light-gcn-37091337568955 (READ-ONLY COPY).

The authoritative reference and input builder live on the scoring server;
editing this copy changes nothing except your own understanding.
"""

import jax, jax.numpy as jnp
import numpy as np

NUM_USERS = 25000
NUM_ITEMS = 25000
NUM_NODES = NUM_USERS + NUM_ITEMS
EMBED_DIM = 64
NUM_LAYERS = 3
N_EDGES = 800000


def setup_inputs(seed: int = 0) -> dict:
    key = jax.random.key(seed)
    k1, k2 = jax.random.split(key)
    edge_index = jax.random.randint(k1, (2, N_EDGES), 0, NUM_NODES, dtype=jnp.int64)
    # xavier_uniform init for embedding table [num_nodes, embed_dim]
    limit = float(np.sqrt(6.0 / (NUM_NODES + EMBED_DIM)))
    emb_weight = jax.random.uniform(k2, (NUM_NODES, EMBED_DIM), dtype=jnp.float32,
                                    minval=-limit, maxval=limit)
    return {"edge_index": edge_index, "emb_weight": emb_weight}


def reference(edge_index, emb_weight):
    x0 = emb_weight
    row = edge_index[0]
    col = edge_index[1]
    n = x0.shape[0]
    # degree(row, num_nodes): count of occurrences of each node in row
    deg = jnp.zeros((n,), dtype=x0.dtype).at[row].add(1.0)
    # deg^{-0.5} with inf -> 0
    deg_sqrt_inv = jnp.where(deg > 0, jnp.power(jnp.where(deg > 0, deg, 1.0), -0.5), 0.0)
    norm = deg_sqrt_inv[row] * deg_sqrt_inv[col]
    H_l = x0
    out = x0 / (NUM_LAYERS + 1)
    for _ in range(NUM_LAYERS):
        msg = H_l[row] * norm[:, None]
        H_next = jnp.zeros((n, x0.shape[1]), dtype=x0.dtype).at[col].add(msg)
        H_l = H_next
        out = out + H_l / (NUM_LAYERS + 1)
    return out

if __name__ == "__main__":
    import jax
    _d = setup_inputs()
    print(jax.jit(kernel)(*tuple(_d.values())))

</pallas_src>

<mosaic_0001>
#map = affine_map<(d0, d1) -> (0, 0)>
#map1 = affine_map<(d0, d1) -> (0, 0, 0)>
module attributes {stable_mosaic.version = 14 : i64} {
  func.func @_deg_sc(%arg0: i32, %arg1: i32, %arg2: memref<6272x128xi32, #tpu.memory_space<hbm>>, %arg3: memref<128x32xf32, #tpu.memory_space<hbm>>, %arg4: memref<3126x32xf32, #tpu.memory_space<hbm>>, %arg5: memref<2x50016x32xf32, #tpu.memory_space<hbm>>, %arg6: memref<4x128xi32, #tpu.memory_space<vmem>>, %arg7: memref<128x32xf32, #tpu.memory_space<vmem>>, %arg8: memref<!tpu.dma_semaphore, #tpu.memory_space<semaphore_mem>>, %arg9: memref<50016x32xf32, #tpu.memory_space<vmem_shared>>) attributes {dimension_semantics = [#tpu.dimension_semantics<core_parallel>, #tpu.dimension_semantics<subcore_parallel>], iteration_bounds = array<i64: 2, 16>, scalar_prefetch = 0 : i64, scratch_operands = 4 : i64, tpu.core_type = #tpu.core_type<sc_vector_subcore>, window_params = [{transform_indices = #map}, {transform_indices = #map}, {transform_indices = #map}, {transform_indices = #map1}]} {
    %mul3A = arith.constant 2 : i32
    %mul3A_0 = arith.muli %arg1, %mul3A : i32
    %add3A = arith.addi %mul3A_0, %arg0 : i32
    %mul3A_1 = arith.constant 3126 : i32
    %mul3A_2 = arith.muli %arg1, %mul3A_1 : i32
    "tpu.region"() ({
      %run_scoped3A = tpu.sem_alloc : memref<!tpu.dma_semaphore, #tpu.memory_space<semaphore_mem>>
      %dma_start3A = arith.constant 0 : i32
      %dma_start3A_12 = tpu.memref_slice %arg9[%mul3A_2, %dma_start3A] : memref<50016x32xf32, #tpu.memory_space<vmem_shared>> -> memref<3126x32xf32, #tpu.memory_space<vmem_shared>>
      tpu.enqueue_dma source(%arg4 : memref<3126x32xf32, #tpu.memory_space<hbm>>) target(%dma_start3A_12 : memref<3126x32xf32, #tpu.memory_space<vmem_shared>>) target_semaphore(%run_scoped3A : memref<!tpu.dma_semaphore, #tpu.memory_space<semaphore_mem>>)
      %dma_wait3A = arith.constant 0 : i32
      %dma_wait3A_13 = tpu.memref_slice %arg9[%mul3A_2, %dma_wait3A] : memref<50016x32xf32, #tpu.memory_space<vmem_shared>> -> memref<3126x32xf32, #tpu.memory_space<vmem_shared>>
      tpu.wait_dma2 semaphore(%run_scoped3A : memref<!tpu.dma_semaphore, #tpu.memory_space<semaphore_mem>>) src(%arg4 : memref<3126x32xf32, #tpu.memory_space<hbm>>) dst(%dma_wait3A_13 : memref<3126x32xf32, #tpu.memory_space<vmem_shared>>)
      tpu.yield
    }) : () -> ()
    "tpu.region"() ({
      %run_scoped3A = tpu.sem_alloc : memref<!tpu.dma_semaphore, #tpu.memory_space<semaphore_mem>>
      tpu.enqueue_dma source(%arg3 : memref<128x32xf32, #tpu.memory_space<hbm>>) target(%arg7 : memref<128x32xf32, #tpu.memory_space<vmem>>) target_semaphore(%run_scoped3A : memref<!tpu.dma_semaphore, #tpu.memory_space<semaphore_mem>>)
      tpu.wait_dma2 semaphore(%run_scoped3A : memref<!tpu.dma_semaphore, #tpu.memory_space<semaphore_mem>>) src(%arg3 : memref<128x32xf32, #tpu.memory_space<hbm>>) dst(%arg7 : memref<128x32xf32, #tpu.memory_space<vmem>>)
      tpu.yield
    }) : () -> ()
    %barrier3A = arith.constant 0 : index
    tpu.barrier barrier_id(%barrier3A)
    %scan3A = arith.constant 0 : i32
    %scan3A_3 = arith.constant 49 : i32
    %scan3A_4 = arith.addi %scan3A, %scan3A_3 : i32
    %scan3A_5 = arith.constant 1 : i32
    scf.for %scan3A_12 = %scan3A to %scan3A_4 step %scan3A_5  : i32 {
      %mul3A_13 = arith.constant 1 : i32
      %mul3A_14 = arith.muli %scan3A_12, %mul3A_13 : i32
      %add3A_15 = arith.constant 0 : i32
      %add3A_16 = arith.addi %add3A_15, %mul3A_14 : i32
      %mul3A_17 = arith.constant 196 : i32
      %mul3A_18 = arith.muli %add3A, %mul3A_17 : i32
      %mul3A_19 = arith.constant 4 : i32
      %mul3A_20 = arith.muli %add3A_16, %mul3A_19 : i32
      %add3A_21 = arith.addi %mul3A_18, %mul3A_20 : i32
      "tpu.region"() ({
        %run_scoped3A_25 = tpu.sem_alloc : memref<!tpu.dma_semaphore, #tpu.memory_space<semaphore_mem>>
        %dma_start3A = arith.constant 0 : i32
        %dma_start3A_26 = tpu.memref_slice %arg2[%add3A_21, %dma_start3A] : memref<6272x128xi32, #tpu.memory_space<hbm>> -> memref<4x128xi32, #tpu.memory_space<hbm>>
        %dma_start3A_27 = arith.constant 0 : i32
        %dma_start3A_28 = tpu.memref_slice %arg2[%add3A_21, %dma_start3A_27] : memref<6272x128xi32, #tpu.memory_space<hbm>> -> memref<4x128xi32, #tpu.memory_space<hbm>>
        tpu.enqueue_dma source(%dma_start3A_28 : memref<4x128xi32, #tpu.memory_space<hbm>>) target(%arg6 : memref<4x128xi32, #tpu.memory_space<vmem>>) target_semaphore(%run_scoped3A_25 : memref<!tpu.dma_semaphore, #tpu.memory_space<semaphore_mem>>)
        %dma_wait3A = arith.constant 0 : i32
        %dma_wait3A_29 = tpu.memref_slice %arg2[%add3A_21, %dma_wait3A] : memref<6272x128xi32, #tpu.memory_space<hbm>> -> memref<4x128xi32, #tpu.memory_space<hbm>>
        %dma_wait3A_30 = arith.constant 0 : i32
        %dma_wait3A_31 = tpu.memref_slice %arg2[%add3A_21, %dma_wait3A_30] : memref<6272x128xi32, #tpu.memory_space<hbm>> -> memref<4x128xi32, #tpu.memory_space<hbm>>
        tpu.wait_dma2 semaphore(%run_scoped3A_25 : memref<!tpu.dma_semaphore, #tpu.memory_space<semaphore_mem>>) src(%dma_wait3A_31 : memref<4x128xi32, #tpu.memory_space<hbm>>) dst(%arg6 : memref<4x128xi32, #tpu.memory_space<vmem>>)
        tpu.yield
      }) : () -> ()
      %run_scoped3A = arith.constant 0 : i32
      "tpu.region"() ({
        %run_scoped3A_25 = tpu.sem_alloc : memref<!tpu.dma_semaphore, #tpu.memory_space<semaphore_mem>>
        %dma_start3A = arith.constant 0 : i32
        %dma_start3A_26 = tpu.memref_slice %arg6[%run_scoped3A, %dma_start3A] : memref<4x128xi32, #tpu.memory_space<vmem>> -> memref<1x128xi32, #tpu.memory_space<vmem>>
        %dma_start3A_27 = tpu.memref_squeeze %dma_start3A_26 : memref<1x128xi32, #tpu.memory_space<vmem>> -> memref<128xi32, #tpu.memory_space<vmem>>
        %dma_start3A_28 = arith.constant 0 : i32
        %dma_start3A_29 = arith.constant 0 : i32
        %dma_start3A_30 = tpu.memref_slice %arg9[%dma_start3A_28, %dma_start3A_29] : memref<50016x32xf32, #tpu.memory_space<vmem_shared>> -> memref<50016x32xf32, #tpu.memory_space<vmem_shared>>
        tpu.enqueue_indirect_dma source(%arg7 : memref<128x32xf32, #tpu.memory_space<vmem>>) target(%dma_start3A_30 : memref<50016x32xf32, #tpu.memory_space<vmem_shared>>) offsets(%dma_start3A_27 : memref<128xi32, #tpu.memory_space<vmem>>) semaphore(%run_scoped3A_25 : memref<!tpu.dma_semaphore, #tpu.memory_space<semaphore_mem>>) {add = true}
        %dma_wait3A = arith.constant 0 : i32
        %dma_wait3A_31 = tpu.memref_slice %arg6[%run_scoped3A, %dma_wait3A] : memref<4x128xi32, #tpu.memory_space<vmem>> -> memref<1x128xi32, #tpu.memory_space<vmem>>
        %dma_wait3A_32 = tpu.memref_squeeze %dma_wait3A_31 : memref<1x128xi32, #tpu.memory_space<vmem>> -> memref<128xi32, #tpu.memory_space<vmem>>
        %dma_wait3A_33 = arith.constant 0 : i32
        %dma_wait3A_34 = arith.constant 0 : i32
        %dma_wait3A_35 = tpu.memref_slice %arg9[%dma_wait3A_33, %dma_wait3A_34] : memref<50016x32xf32, #tpu.memory_space<vmem_shared>> -> memref<50016x32xf32, #tpu.memory_space<vmem_shared>>
        tpu.wait_indirect_dma semaphore(%run_scoped3A_25 : memref<!tpu.dma_semaphore, #tpu.memory_space<semaphore_mem>>) src(%arg7 : memref<128x32xf32, #tpu.memory_space<vmem>>) dst(%dma_wait3A_35 : memref<50016x32xf32, #tpu.memory_space<vmem_shared>>)
        tpu.yield
      }) : () -> ()
      %run_scoped3A_22 = arith.constant 1 : i32
      "tpu.region"() ({
        %run_scoped3A_25 = tpu.sem_alloc : memref<!tpu.dma_semaphore, #tpu.memory_space<semaphore_mem>>
        %dma_start3A = arith.constant 0 : i32
        %dma_start3A_26 = tpu.memref_slice %arg6[%run_scoped3A_22, %dma_start3A] : memref<4x128xi32, #tpu.memory_space<vmem>> -> memref<1x128xi32, #tpu.memory_space<vmem>>
        %dma_start3A_27 = tpu.memref_squeeze %dma_start3A_26 : memref<1x128xi32, #tpu.memory_space<vmem>> -> memref<128xi32, #tpu.memory_space<vmem>>
        %dma_start3A_28 = arith.constant 0 : i32
        %dma_start3A_29 = arith.constant 0 : i32
        %dma_start3A_30 = tpu.memref_slice %arg9[%dma_start3A_28, %dma_start3A_29] : memref<50016x32xf32, #tpu.memory_space<vmem_shared>> -> memref<50016x32xf32, #tpu.memory_space<vmem_shared>>
        tpu.enqueue_indirect_dma source(%arg7 : memref<128x32xf32, #tpu.memory_space<vmem>>) target(%dma_start3A_30 : memref<50016x32xf32, #tpu.memory_space<vmem_shared>>) offsets(%dma_start3A_27 : memref<128xi32, #tpu.memory_space<vmem>>) semaphore(%run_scoped3A_25 : memref<!tpu.dma_semaphore, #tpu.memory_space<semaphore_mem>>) {add = true}
        %dma_wait3A = arith.constant 0 : i32
        %dma_wait3A_31 = tpu.memref_slice %arg6[%run_scoped3A_22, %dma_wait3A] : memref<4x128xi32, #tpu.memory_space<vmem>> -> memref<1x128xi32, #tpu.memory_space<vmem>>
        %dma_wait3A_32 = tpu.memref_squeeze %dma_wait3A_31 : memref<1x128xi32, #tpu.memory_space<vmem>> -> memref<128xi32, #tpu.memory_space<vmem>>
        %dma_wait3A_33 = arith.constant 0 : i32
        %dma_wait3A_34 = arith.constant 0 : i32
        %dma_wait3A_35 = tpu.memref_slice %arg9[%dma_wait3A_33, %dma_wait3A_34] : memref<50016x32xf32, #tpu.memory_space<vmem_shared>> -> memref<50016x32xf32, #tpu.memory_space<vmem_shared>>
        tpu.wait_indirect_dma semaphore(%run_scoped3A_25 : memref<!tpu.dma_semaphore, #tpu.memory_space<semaphore_mem>>) src(%arg7 : memref<128x32xf32, #tpu.memory_space<vmem>>) dst(%dma_wait3A_35 : memref<50016x32xf32, #tpu.memory_space<vmem_shared>>)
        tpu.yield
      }) : () -> ()
      %run_scoped3A_23 = arith.constant 2 : i32
      "tpu.region"() ({
        %run_scoped3A_25 = tpu.sem_alloc : memref<!tpu.dma_semaphore, #tpu.memory_space<semaphore_mem>>
        %dma_start3A = arith.constant 0 : i32
        %dma_start3A_26 = tpu.memref_slice %arg6[%run_scoped3A_23, %dma_start3A] : memref<4x128xi32, #tpu.memory_space<vmem>> -> memref<1x128xi32, #tpu.memory_space<vmem>>
        %dma_start3A_27 = tpu.memref_squeeze %dma_start3A_26 : memref<1x128xi32, #tpu.memory_space<vmem>> -> memref<128xi32, #tpu.memory_space<vmem>>
        %dma_start3A_28 = arith.constant 0 : i32
        %dma_start3A_29 = arith.constant 0 : i32
        %dma_start3A_30 = tpu.memref_slice %arg9[%dma_start3A_28, %dma_start3A_29] : memref<50016x32xf32, #tpu.memory_space<vmem_shared>> -> memref<50016x32xf32, #tpu.memory_space<vmem_shared>>
        tpu.enqueue_indirect_dma source(%arg7 : memref<128x32xf32, #tpu.memory_space<vmem>>) target(%dma_start3A_30 : memref<50016x32xf32, #tpu.memory_space<vmem_shared>>) offsets(%dma_start3A_27 : memref<128xi32, #tpu.memory_space<vmem>>) semaphore(%run_scoped3A_25 : memref<!tpu.dma_semaphore, #tpu.memory_space<semaphore_mem>>) {add = true}
        %dma_wait3A = arith.constant 0 : i32
        %dma_wait3A_31 = tpu.memref_slice %arg6[%run_scoped3A_23, %dma_wait3A] : memref<4x128xi32, #tpu.memory_space<vmem>> -> memref<1x128xi32, #tpu.memory_space<vmem>>
        %dma_wait3A_32 = tpu.memref_squeeze %dma_wait3A_31 : memref<1x128xi32, #tpu.memory_space<vmem>> -> memref<128xi32, #tpu.memory_space<vmem>>
        %dma_wait3A_33 = arith.constant 0 : i32
        %dma_wait3A_34 = arith.constant 0 : i32
        %dma_wait3A_35 = tpu.memref_slice %arg9[%dma_wait3A_33, %dma_wait3A_34] : memref<50016x32xf32, #tpu.memory_space<vmem_shared>> -> memref<50016x32xf32, #tpu.memory_space<vmem_shared>>
        tpu.wait_indirect_dma semaphore(%run_scoped3A_25 : memref<!tpu.dma_semaphore, #tpu.memory_space<semaphore_mem>>) src(%arg7 : memref<128x32xf32, #tpu.memory_space<vmem>>) dst(%dma_wait3A_35 : memref<50016x32xf32, #tpu.memory_space<vmem_shared>>)
        tpu.yield
      }) : () -> ()
      %run_scoped3A_24 = arith.constant 3 : i32
      "tpu.region"() ({
        %run_scoped3A_25 = tpu.sem_alloc : memref<!tpu.dma_semaphore, #tpu.memory_space<semaphore_mem>>
        %dma_start3A = arith.constant 0 : i32
        %dma_start3A_26 = tpu.memref_slice %arg6[%run_scoped3A_24, %dma_start3A] : memref<4x128xi32, #tpu.memory_space<vmem>> -> memref<1x128xi32, #tpu.memory_space<vmem>>
        %dma_start3A_27 = tpu.memref_squeeze %dma_start3A_26 : memref<1x128xi32, #tpu.memory_space<vmem>> -> memref<128xi32, #tpu.memory_space<vmem>>
        %dma_start3A_28 = arith.constant 0 : i32
        %dma_start3A_29 = arith.constant 0 : i32
        %dma_start3A_30 = tpu.memref_slice %arg9[%dma_start3A_28, %dma_start3A_29] : memref<50016x32xf32, #tpu.memory_space<vmem_shared>> -> memref<50016x32xf32, #tpu.memory_space<vmem_shared>>
        tpu.enqueue_indirect_dma source(%arg7 : memref<128x32xf32, #tpu.memory_space<vmem>>) target(%dma_start3A_30 : memref<50016x32xf32, #tpu.memory_space<vmem_shared>>) offsets(%dma_start3A_27 : memref<128xi32, #tpu.memory_space<vmem>>) semaphore(%run_scoped3A_25 : memref<!tpu.dma_semaphore, #tpu.memory_space<semaphore_mem>>) {add = true}
        %dma_wait3A = arith.constant 0 : i32
        %dma_wait3A_31 = tpu.memref_slice %arg6[%run_scoped3A_24, %dma_wait3A] : memref<4x128xi32, #tpu.memory_space<vmem>> -> memref<1x128xi32, #tpu.memory_space<vmem>>
        %dma_wait3A_32 = tpu.memref_squeeze %dma_wait3A_31 : memref<1x128xi32, #tpu.memory_space<vmem>> -> memref<128xi32, #tpu.memory_space<vmem>>
        %dma_wait3A_33 = arith.constant 0 : i32
        %dma_wait3A_34 = arith.constant 0 : i32
        %dma_wait3A_35 = tpu.memref_slice %arg9[%dma_wait3A_33, %dma_wait3A_34] : memref<50016x32xf32, #tpu.memory_space<vmem_shared>> -> memref<50016x32xf32, #tpu.memory_space<vmem_shared>>
        tpu.wait_indirect_dma semaphore(%run_scoped3A_25 : memref<!tpu.dma_semaphore, #tpu.memory_space<semaphore_mem>>) src(%arg7 : memref<128x32xf32, #tpu.memory_space<vmem>>) dst(%dma_wait3A_35 : memref<50016x32xf32, #tpu.memory_space<vmem_shared>>)
        tpu.yield
      }) : () -> ()
    }
    %scan3A_6 = arith.constant 49 : i32
    %barrier3A_7 = arith.constant 0 : index
    tpu.barrier barrier_id(%barrier3A_7)
    %mul3A_8 = arith.constant 3126 : i32
    %mul3A_9 = arith.muli %arg1, %mul3A_8 : i32
    %mul3A_10 = arith.constant 3126 : i32
    %mul3A_11 = arith.muli %arg1, %mul3A_10 : i32
    "tpu.region"() ({
      %run_scoped3A = tpu.sem_alloc : memref<!tpu.dma_semaphore, #tpu.memory_space<semaphore_mem>>
      %dma_start3A = arith.constant 0 : i32
      %dma_start3A_12 = tpu.memref_slice %arg5[%arg0, %mul3A_11, %dma_start3A] : memref<2x50016x32xf32, #tpu.memory_space<hbm>> -> memref<1x3126x32xf32, #tpu.memory_space<hbm>>
      %dma_start3A_13 = tpu.memref_squeeze %dma_start3A_12 : memref<1x3126x32xf32, #tpu.memory_space<hbm>> -> memref<3126x32xf32, #tpu.memory_space<hbm>>
      %dma_start3A_14 = arith.constant 0 : i32
      %dma_start3A_15 = tpu.memref_slice %arg9[%mul3A_9, %dma_start3A_14] : memref<50016x32xf32, #tpu.memory_space<vmem_shared>> -> memref<3126x32xf32, #tpu.memory_space<vmem_shared>>
      tpu.enqueue_dma source(%dma_start3A_15 : memref<3126x32xf32, #tpu.memory_space<vmem_shared>>) target(%dma_start3A_13 : memref<3126x32xf32, #tpu.memory_space<hbm>>) target_semaphore(%run_scoped3A : memref<!tpu.dma_semaphore, #tpu.memory_space<semaphore_mem>>)
      %dma_wait3A = arith.constant 0 : i32
      %dma_wait3A_16 = tpu.memref_slice %arg5[%arg0, %mul3A_11, %dma_wait3A] : memref<2x50016x32xf32, #tpu.memory_space<hbm>> -> memref<1x3126x32xf32, #tpu.memory_space<hbm>>
      %dma_wait3A_17 = tpu.memref_squeeze %dma_wait3A_16 : memref<1x3126x32xf32, #tpu.memory_space<hbm>> -> memref<3126x32xf32, #tpu.memory_space<hbm>>
      %dma_wait3A_18 = arith.constant 0 : i32
      %dma_wait3A_19 = tpu.memref_slice %arg9[%mul3A_9, %dma_wait3A_18] : memref<50016x32xf32, #tpu.memory_space<vmem_shared>> -> memref<3126x32xf32, #tpu.memory_space<vmem_shared>>
      tpu.wait_dma2 semaphore(%run_scoped3A : memref<!tpu.dma_semaphore, #tpu.memory_space<semaphore_mem>>) src(%dma_wait3A_19 : memref<3126x32xf32, #tpu.memory_space<vmem_shared>>) dst(%dma_wait3A_17 : memref<3126x32xf32, #tpu.memory_space<hbm>>)
      tpu.yield
    }) : () -> ()
    return
  }
}

</mosaic_0001>

<sc_bundles>
// kernel: _deg_call.3.cloned.1.call-start
scs
__scs_entry_jumppad:
0x0: {  	(pc) =	sbr.rel $0x88, $3  }
0x1: {  	(tag) =	ssettag $0x0;
	lr =	simm.s32 $0x1  }
0x2: {  	[smem:$0x3FA0] =	sst lr;
	_ =	strace $0xD0000000  }
0x3: {  	_ = 	snop  }
0x4: {  	_ = 	snop  }
0x5: {  	_ = 	snop  }
0x6: {  	_ = 	snop  }
0x7: {  	_ = 	snop  }
__scs_overlays_trampoline_lowered:
0x8: {  	[smem:$0x3FAF] =	sst s0  }
0x9: {  	[smem:$0x3FB0] =	sst s1  }
0xa: {  	[smem:$0x3FB1] =	sst s2  }
0xb: {  	[smem:$0x3FB2] =	sst s3  }
0xc: {  	[smem:$0x3FB3] =	sst s4  }
0xd: {  	[smem:$0x3FB4] =	sst s5  }
0xe: {  	[smem:$0x3FB5] =	sst s6  }
0xf: {  	[smem:$0x3FB6] =	sst s7  }
0x10: {  	[smem:$0x3FB7] =	sst s8  }
0x11: {  	[smem:$0x3FB8] =	sst s9;
	s0 =	simm.s32 @!p0 $0x0  }
0x12: {  	s1 =	sld [smem:$0x3F9E];
	s0 =	simm.s32 @p0 $0x1  }
0x13: {  	[smem:$0x3FB9] =	sst s0;
	s0 =	simm.s32 @!p1 $0x0  }
0x14: {  	s2 =	sld [smem:$0x3F9D];
	s0 =	simm.s32 @p1 $0x1  }
0x15: {  	[smem:$0x3FBA] =	sst s0;
	s0 =	simm.s32 @!p2 $0x0  }
0x16: {  	s3 =	sld [smem:$0x3FDB];
	s0 =	simm.s32 @p2 $0x1  }
0x17: {  	s4 =	simm.s32 $0x1BF5;
	[smem:$0x3FBC] =	sst s0  }
0x18: {  	s0 =	sld [smem:$0x3F9F];
	_ =	swait.ge [sflag:s4], $0x0  }
0x19: {  	s7 =	sld [smem:$0x3FA0]  }
0x1a: {  	s8 =	sadd.s32 $0xFFFFE003, lr  }
0x1b: {  	s9 =	sadd.s32 $0xFFFFFEF7, lr;
	s5 =	simm.s32 $0xFFFFFFFF;
	p2 =	slt.u32 s8, $0xFFFFF086  }
0x1c: {  	p1 =	slt.u32 s9, $0xF7A;
	s5 =	simm.s32 @!p2 $0x0  }
0x1d: {  	s5 =	simm.s32 @p1 $0x1;
	p0 =	seq.s32 s7, s2  }
0x1e: {  	s7 =	smul.u32 @!p0 $0xF7A, s2;
	p2 =	seq.s32 @!p0 s5, $0x0  }
0x1f: {  	s9 =	smul.u32 $0xF7A, s1;
	s8 =	simm.s32 @!p0 $0x1BF5;
	p2 =	por !p2, p0  }
0x20: {  	[sflag:s8] =	ssyncset.s32 @!p0 $0xFFFFF086;
	s6 =	sadd.s32 @!p0 s3, s7;
	s7 =	simm.s32 @!p0 $0x108  }
0x21: {  	s3 =	sadd.s32 s3, s9;
	s6 =	sadd.s32 @!p0 $0x88, s6;
	s7 =	simm.s32 @p2 $0x1082  }
0x22: {  	[simem:s7], [sflag:s8] =	dma.local @!p0 [hbm:s6], $0xF7A  }
0x23: {  	s9 =	sor.u32 $0xD0000000, s2;
	s6 =	simm.s32 $0x108;
	_ =	swait.ge @!p0 [sflag:s8], $0x0  }
0x24: {  	s3 =	sadd.s32 $0x88, s3;
	s6 =	simm.s32 @!p1 $0x1082;
	[sflag:s4] =	ssyncset.s32 $0xFFFFF086  }
0x25: {  	[simem:s6], [sflag:s4] =	dma.local [hbm:s3], $0xF7A  }
0x26: {  	[smem:$0x3FA0] =	sst s1;
	(tag) =	ssettag s2;
	_ =	strace s9  }
0x27: {  	s1 =	sld [smem:$0x3FB0]  }
0x28: {  	s2 =	sld [smem:$0x3FB1]  }
0x29: {  	s4 =	sld [smem:$0x3FB3]  }
0x2a: {  	p0 =	seq.s32 s5, $0x0;
	s5 =	sld [smem:$0x3FB4]  }
0x2b: {  	s6 =	sld [smem:$0x3FB5]  }
0x2c: {  	s7 =	sld [smem:$0x3FB6]  }
0x2d: {  	s3 =	simm.s32 $0x108;
	s8 =	sld [smem:$0x3FB7]  }
0x2e: {  	s3 =	simm.s32 @!p0 $0x1082;
	s9 =	sld [smem:$0x3FB8]  }
0x2f: {  	lr =	sadd.s32 s0, s3;
	s0 =	sld [smem:$0x3FAF]  }
0x30: {  	s3 =	sld [smem:$0x3FB2]  }
0x31: {  	[smem:$0x3FBB] =	sst s10  }
0x32: {  	s10 =	sld [smem:$0x3FB9];
	_ =	sdelay $0x3  }
0x33: {  	p0 =	seq.s32 s10, $0x1;
	s10 =	sld [smem:$0x3FBB];
	_ =	sdelay $0x3  }
0x34: {  	[smem:$0x3FBB] =	sst s10  }
0x35: {  	s10 =	sld [smem:$0x3FBA];
	_ =	sdelay $0x3  }
0x36: {  	p1 =	seq.s32 s10, $0x1;
	s10 =	sld [smem:$0x3FBB];
	_ =	sdelay $0x3  }
0x37: {  	[smem:$0x3FBB] =	sst s10  }
0x38: {  	s10 =	sld [smem:$0x3FBC]  }
0x39: {  	_ = 	snop;
	(pc) =	sbr.ind lr, $3  }
0x3a: {  	_ = 	snop  }
0x3b: {  	_ = 	snop  }
0x3c: {  	p2 =	seq.s32 s10, $0x1;
	s10 =	sld [smem:$0x3FBB]  }
0x3d: {  	_ =	shalt  }
0x3e: {  	_ =	shalt  }
0x3f: {  	_ =	shalt  }
0x40: {  	_ =	shalt  }
0x41: {  	_ =	shalt  }
0x42: {  	_ =	shalt  }
0x43: {  	_ =	shalt  }
0x44: {  	_ =	shalt  }
0x45: {  	_ =	shalt  }
0x46: {  	_ =	shalt  }
0x47: {  	_ =	shalt  }
0x48: {  	_ =	shalt  }
0x49: {  	_ =	shalt  }
0x4a: {  	_ =	shalt  }
0x4b: {  	_ =	shalt  }
0x4c: {  	_ =	shalt  }
0x4d: {  	_ =	shalt  }
0x4e: {  	_ =	shalt  }
0x4f: {  	_ =	shalt  }
0x50: {  	_ =	shalt  }
0x51: {  	_ =	shalt  }
0x52: {  	_ =	shalt  }
0x53: {  	_ =	shalt  }
0x54: {  	_ =	shalt  }
0x55: {  	_ =	shalt  }
0x56: {  	_ =	shalt  }
0x57: {  	_ =	shalt  }
0x58: {  	_ =	shalt  }
0x59: {  	_ =	shalt  }
0x5a: {  	_ =	shalt  }
0x5b: {  	_ =	shalt  }
0x5c: {  	_ =	shalt  }
0x5d: {  	_ =	shalt  }
0x5e: {  	_ =	shalt  }
0x5f: {  	_ =	shalt  }
0x60: {  	_ =	shalt  }
0x61: {  	_ =	shalt  }
0x62: {  	_ =	shalt  }
0x63: {  	_ =	shalt  }
0x64: {  	_ =	shalt  }
0x65: {  	_ =	shalt  }
0x66: {  	_ =	shalt  }
0x67: {  	_ =	shalt  }
0x68: {  	_ =	shalt  }
0x69: {  	_ =	shalt  }
0x6a: {  	_ =	shalt  }
0x6b: {  	_ =	shalt  }
0x6c: {  	_ =	shalt  }
0x6d: {  	_ =	shalt  }
0x6e: {  	_ =	shalt  }
0x6f: {  	_ =	shalt  }
0x70: {  	_ =	shalt  }
0x71: {  	_ =	shalt  }
0x72: {  	_ =	shalt  }
0x73: {  	_ =	shalt  }
0x74: {  	_ =	shalt  }
0x75: {  	_ =	shalt  }
0x76: {  	_ =	shalt  }
0x77: {  	_ =	shalt  }
0x78: {  	_ =	shalt  }
0x79: {  	_ =	shalt  }
0x7a: {  	_ =	shalt  }
0x7b: {  	_ =	shalt  }
0x7c: {  	_ =	shalt  }
0x7d: {  	_ =	shalt  }
0x7e: {  	_ =	shalt  }
0x7f: {  	_ =	shalt  }
0x80: {  	_ =	shalt  }
0x81: {  	_ =	shalt  }
0x82: {  	_ =	shalt  }
0x83: {  	_ =	shalt  }
0x84: {  	_ =	shalt  }
0x85: {  	_ =	shalt  }
0x86: {  	_ =	shalt  }
0x87: {  	_ =	shalt  }
.Lfunc_end0:
.L_simem_size_0:
called_computation_lowered:
.L_overlay_start_0:
0x88: {  	s2 =	sld [smem:$0x3FD9]  }
0x89: {  	s3 =	sld [smem:$0x3FFE];
	_ =	sdelay $0x1  }
0x8a: {  	s1 =	srdreg.scid  }
0x8b: {  	s0 =	sand.u32 $0x1, s1  }
0x8c: {  	s17 =	sshll.u32 s0, $0xA;
	s2 =	sadd.s32 s3, s2  }
0x8d: {  	s2 =	sadd.s32 s2, s17  }
0x8e: {  	[smem:$0x3FC7] =	sst s2  }
0x8f: {  	_ = 	snop  }
0x90: {  	s2 =	sld [smem:$0x3FC9]  }
0x91: {  	s18 =	sld [smem:$0x3FD0];
	(tm) =	ssettm $0x1  }
0x92: {  	s4 =	sld [smem:$0x3FFB];
	_ =	sdelay $0x3  }
0x93: {  	_ =	strace s4  }
0x94: {  	s4 =	sld [smem:$0x3FFC];
	_ =	sdelay $0x3  }
0x95: {  	_ =	strace s4  }
0x96: {  	s4 =	sld [smem:$0x3FFD];
	_ =	sdelay $0x3  }
0x97: {  	_ =	strace s4  }
0x98: {  	_ =	strace $0x8FFFFFFF  }
0x99: {  	s19 =	sld [smem:$0x3FDB];
	_ =	sdelay $0x1  }
0x9a: {  	s5 =	simm.s32 $_scs_section_size  }
0x9b: {  	s6 =	simm.s32 $_size__tile_overlayer_lowered;
	s7 =	simm.s32 $_tile_overlayer_lowered  }
0x9c: {  	s22 =	simm.s32 $0x1BFF;
	s21 =	sshll.u32 s7, $0x1;
	s4 =	sadd.s32 s5, s19  }
0x9d: {  	s8 =	simm.s32 $0x0;
	s20 =	sshll.u32 s6, $0x1;
	s6 =	sadd.s32 s21, s4  }
0x9e: {  	[timem:s8], [sflag:s22] =	dma.local [hbm:s6], s20  }
0x9f: {  	_ =	swait.ge [sflag:s22], s20  }
0xa0: {  	s5 =	ssub.s32 $0x0, s20;
	[sflag:s22] =	ssyncset.done $0x0  }
0xa1: {  	[sflag:s22] =	ssyncadd.s32 s5;
	_ =	sdelay $0x1  }
0xa2: {  	s23 =	simm.s32 $0x1B8B  }
0xa3: {  	_ =	swait.ge [sflag:s23], $0x1  }
0xa4: {  	[sflag:s23] =	ssyncset.done $0x0  }
0xa5: {  	s25 =	simm.s32 $0x1B8E;
	s24 =	sld [smem:$0x3FFE];
	[sflag:s23] =	ssyncadd.s32 $0xFFFFFFFF  }
0xa6: {  	s26 =	simm.s32 $execute0_lowered;
	[smem:$0x3FD2] =	sst s25  }
0xa7: {  	s6 =	sshll.u32 s26, $0x1;
	_ =	strace $0x80000046;
	[dreg:$0x1] =	wrdreg $0xFFFFFFFF  }
0xa8: {  	s28 =	simm.s32 $_size_execute0_lowered;
	s4 =	sadd.s32 s4, s6;
	[dreg:$0x0] =	wrdreg $0x0  }
0xa9: {  	s6 =	sshll.u32 s28, $0x1;
	[dreg:$0x2] =	wrdreg s4  }
0xaa: {  	[dreg:$0x3] =	wrdreg s6  }
0xab: {  	[dreg:$0x4] =	wrdreg $0xC0  }
0xac: {  	_ =	task [dreg:s8], $0x5FFFF  }
0xad: {  	[dreg:$0x1] =	wrdreg $0xFFFFFFFF  }
0xae: {  	[dreg:$0x0] =	wrdreg $0x60  }
0xaf: {  	[dreg:$0x2] =	wrdreg s2  }
0xb0: {  	[dreg:$0x3] =	wrdreg s24  }
0xb1: {  	[dreg:$0x4] =	wrdreg s18  }
0xb2: {  	[dreg:$0x5] =	wrdreg $0x12000  }
0xb3: {  	[dreg:$0x6] =	wrdreg $0x9  }
0xb4: {  	_ =	task.clear_ibuf [dreg:s8], $0x7FFFF;
	_ =	strace $0x90000046  }
0xb5: {  	s29 =	simm.s32 $0x9;
	_ =	strace $0x80000048  }
0xb6: {  	_ =	swait.ge [sflag:s29], $0x1  }
0xb7: {  	[sflag:s29] =	ssyncadd.s32 $0xFFFFFFFF  }
0xb8: {  	_ =	strace $0x90000048  }
0xb9: {  	_ =	sfence  }
0xba: {  	s30 =	sld [smem:$0x0];
	_ =	sdelay $0x2  }
0xbb: {  	s31 =	sshll.u32 s1, $0xD;
	s1 =	sshrl.u32 s1, $0x2  }
0xbc: {  	s3 =	sand.u32 $0x4000, s31;
	s1 =	sadd.s32 s1, s30  }
0xbd: {  	s0 =	sor.u32 s3, s0;
	s1 =	sshll.u32 s1, $0x11  }
0xbe: {  	s0 =	sor.u32 s1, s0  }
0xbf: {  	s0 =	sadd.s32 $0x8F2B, s0  }
0xc0: {  	[sflag:s0] =	ssyncadd.remote.s32 $0x1  }
0xc1: {  	_ =	sfence.sel $0xFFFF  }
0xc2: {  	[dreg:$0x0] =	wrdreg $0xFFFFFFFF;
	(pc) =	sbr.abs _section_cstart, $3  }
0xc3: {  	[dreg:$0x1] =	wrdreg $0xFFFFFFFF  }
0xc4: {  	_ =	task.clear_ibuf [dreg:s8], $0x2FFFF;
	_ =	strace $0x9FFFFFFF  }
0xc5: {  	(tm) =	ssettm $0x7FFFFFFF  }
tec
execute0_lowered:
.L_overlay_start_1:
0x0: {  	(tag) =	ssettag $0x1  }
0x1: {  	s9 =	rddreg [dreg:$0x0]  }
0x2: {  	s5 =	rddreg [dreg:$0x1]  }
0x3: {  	s7 =	rddreg [dreg:$0x2]  }
0x4: {  	s2 =	rddreg [dreg:$0x3]  }
0x5: {  	s0 =	rddreg [dreg:$0x4];
	s3 =	simm.s32 $0x0;
	s4 =	srdreg.scid  }
0x6: {  	s1 =	stileid.u32;
	s14 =	simm.s32 $0x100;
	s15 =	simm.s32 $0x180  }
0x7: {  	s16 =	simm.s32 $0x0;
	[smem:$0x7FF] =	sst s3;
	s8 =	smul.u32 $0x186C0, s1  }
0x8: {  	s6 =	sand.u32 $0x1, s4;
	s4 =	sadd.s32 $0x400, s5;
	s12 =	smul.u32 $0xC400, s1  }
0x9: {  	s5 =	sadd.s32 $0x600, s5;
	s10 =	smul.u32 $0x186C00, s6;
	s11 =	ssub.s32 $0x2, s6  }
0xa: {  	s30 =	sshll.u32 s1, $0x6;
	s6 =	smul.u32 $0x6200, s6;
	s13 =	sshrl.u32 s11, $0x1  }
0xb: {  	_ =	strace $0x80000047;
	s29 =	sadd.s32 s8, s2;
	s11 =	ssub.s32 s11, s13  }
0xc: {  	s8 =	sadd.s32 s8, s10;
	s12 =	sadd.s32 s6, s12;
	s6 =	sor.u32 $0x1C01, s30  }
0xd: {  	s10 =	sshrl.u32 s29, $0x3;
	s13 =	simm.s32 $0x80;
	s8 =	sshrl.u32 s8, $0x3  }
0xe: {  	s31 =	sshrl.u32 s12, $0x3;
	s12 =	simm.s32 $0x200;
	s7 =	sadd.s32 s7, s8  }
0xf: {  	s8 =	smax.u32 s11, $0x1;
	s9 =	sadd.s32 s31, s9;
	s11 =	simm.s32 $0x1  }
.LBB2_1:
0x10: {  	[spmem:s10], [sflag:s6] =	dma.local [hbm:s5], $0x30D8  }
0x11: {  	_ =	swait.ge [sflag:s11], $0x30D8  }
0x12: {  	[sflag:s11] =	ssyncset.done $0x0  }
0x13: {  	[sflag:s11] =	ssyncadd.s32 $0xFFFFCF28  }
0x14: {  	[tilespmem:s12], [sflag:$0x1] =	stream.linear.gather [hbm4b:s4+s3], $0x1000, $0x38;
	[tilespmem:$0x198C0] =	vst v63  }
0x15: {  	_ =	swait.ge [sflag:s11], $0x1000  }
0x16: {  	[sflag:s11] =	ssyncset.done $0x0  }
0x17: {  	[sflag:s11] =	ssyncadd.s32 $0xFFFFF000  }
0x18: {  	s17 =	sadd.s32 $0x0, s9;
	[bflag:$0x0] =	sbarrier.arrive $0xFFFF  }
0x19: {  	[tilespmem:s3], [sflag:$0x1] =	stream.linear.gather [hbm4b:s17+s3], $0x200, $0x38;
	[tilespmem:$0x198C0] =	vst v63  }
0x1a: {  	_ =	swait.ge [sflag:s11], $0x200  }
0x1b: {  	[sflag:s11] =	ssyncset.done $0x0  }
0x1c: {  	[sflag:s11] =	ssyncadd.s32 $0xFFFFFE00  }
0x1d: {  	[spmem:s2] =	stream.indirect.scatter.add.f32 [tilespmem:s12], [sflag:$0x1], $0x20, s3, s13, $0xb8;
	[tilespmem:$0x198C0] =	vst v63  }
0x1e: {  	_ =	swait.ge [sflag:s11], $0x1000  }
0x1f: {  	[sflag:s11] =	ssyncset.done $0x0  }
0x20: {  	[sflag:s11] =	ssyncadd.s32 $0xFFFFF000  }
0x21: {  	[spmem:s2] =	stream.indirect.scatter.add.f32 [tilespmem:s12], [sflag:$0x1], $0x20, s13, s13, $0xb8;
	[tilespmem:$0x198C0] =	vst v63  }
0x22: {  	_ =	swait.ge [sflag:s11], $0x1000  }
0x23: {  	[sflag:s11] =	ssyncset.done $0x0  }
0x24: {  	[sflag:s11] =	ssyncadd.s32 $0xFFFFF000  }
0x25: {  	[spmem:s2] =	stream.indirect.scatter.add.f32 [tilespmem:s12], [sflag:$0x1], $0x20, s14, s13, $0xb8;
	[tilespmem:$0x198C0] =	vst v63  }
0x26: {  	_ =	swait.ge [sflag:s11], $0x1000  }
0x27: {  	[sflag:s11] =	ssyncset.done $0x0  }
0x28: {  	[sflag:s11] =	ssyncadd.s32 $0xFFFFF000  }
0x29: {  	[spmem:s2] =	stream.indirect.scatter.add.f32 [tilespmem:s12], [sflag:$0x1], $0x20, s15, s13, $0xb8;
	[tilespmem:$0x198C0] =	vst v63  }
0x2a: {  	_ =	swait.ge [sflag:s11], $0x1000  }
0x2b: {  	s18 =	simm.s32 $0x80;
	s17 =	simm.s32 $0x40;
	[sflag:s11] =	ssyncset.done $0x0  }
.LBB2_2:
0x2c: {  	s19 =	sadd.s32 s17, s9  }
0x2d: {  	[sflag:s11] =	ssyncadd.s32 $0xFFFFF000;
	s17 =	smov.u32 s18;
	s20 =	sadd.s32 $0x40, s18  }
0x2e: {  	[tilespmem:s3], [sflag:$0x1] =	stream.linear.gather [hbm4b:s19+s3], $0x200, $0x38;
	[tilespmem:$0x198C0] =	vst v63  }
0x2f: {  	p0 =	sne.s32 s18, $0xC00;
	_ =	swait.ge [sflag:s11], $0x200  }
0x30: {  	[sflag:s11] =	ssyncset.done $0x0  }
0x31: {  	[sflag:s11] =	ssyncadd.s32 $0xFFFFFE00  }
0x32: {  	[spmem:s2] =	stream.indirect.scatter.add.f32 [tilespmem:s12], [sflag:$0x1], $0x20, s3, s13, $0xb8;
	[tilespmem:$0x198C0] =	vst v63  }
0x33: {  	_ =	swait.ge [sflag:s11], $0x1000  }
0x34: {  	[sflag:s11] =	ssyncset.done $0x0  }
0x35: {  	[sflag:s11] =	ssyncadd.s32 $0xFFFFF000  }
0x36: {  	[spmem:s2] =	stream.indirect.scatter.add.f32 [tilespmem:s12], [sflag:$0x1], $0x20, s13, s13, $0xb8;
	[tilespmem:$0x198C0] =	vst v63  }
0x37: {  	_ =	swait.ge [sflag:s11], $0x1000  }
0x38: {  	[sflag:s11] =	ssyncset.done $0x0  }
0x39: {  	[sflag:s11] =	ssyncadd.s32 $0xFFFFF000  }
0x3a: {  	[spmem:s2] =	stream.indirect.scatter.add.f32 [tilespmem:s12], [sflag:$0x1], $0x20, s14, s13, $0xb8;
	[tilespmem:$0x198C0] =	vst v63  }
0x3b: {  	_ =	swait.ge [sflag:s11], $0x1000  }
.Ltmp0:
0x3c: {  	[sflag:s11] =	ssyncset.done $0x0;
	(pc) =	sbr.rel @p0 .LBB2_2-.Ltmp0, $4  }
0x3d: {  	[sflag:s11] =	ssyncadd.s32 $0xFFFFF000  }
0x3e: {  	[spmem:s2] =	stream.indirect.scatter.add.f32 [tilespmem:s12], [sflag:$0x1], $0x20, s15, s13, $0xb8;
	[tilespmem:$0x198C0] =	vst v63  }
0x3f: {  	_ =	swait.ge [sflag:s11], $0x1000  }
0x40: {  	s18 =	smov.u32 s20;
	[sflag:s11] =	ssyncset.done $0x0  }
0x41: {  	s17 =	sadd.s32 s17, s9;
	[sflag:s11] =	ssyncadd.s32 $0xFFFFF000  }
0x42: {  	[tilespmem:s3], [sflag:$0x1] =	stream.linear.gather [hbm4b:s17+s3], $0x200, $0x38;
	[tilespmem:$0x198C0] =	vst v63  }
0x43: {  	_ =	swait.ge [sflag:s11], $0x200  }
0x44: {  	[sflag:s11] =	ssyncset.done $0x0  }
0x45: {  	[sflag:s11] =	ssyncadd.s32 $0xFFFFFE00  }
0x46: {  	[spmem:s2] =	stream.indirect.scatter.add.f32 [tilespmem:s12], [sflag:$0x1], $0x20, s3, s13, $0xb8;
	[tilespmem:$0x198C0] =	vst v63  }
0x47: {  	_ =	swait.ge [sflag:s11], $0x1000  }
0x48: {  	[sflag:s11] =	ssyncset.done $0x0  }
0x49: {  	[sflag:s11] =	ssyncadd.s32 $0xFFFFF000  }
0x4a: {  	[spmem:s2] =	stream.indirect.scatter.add.f32 [tilespmem:s12], [sflag:$0x1], $0x20, s13, s13, $0xb8;
	[tilespmem:$0x198C0] =	vst v63  }
0x4b: {  	_ =	swait.ge [sflag:s11], $0x1000  }
0x4c: {  	[sflag:s11] =	ssyncset.done $0x0  }
0x4d: {  	[sflag:s11] =	ssyncadd.s32 $0xFFFFF000  }
0x4e: {  	[spmem:s2] =	stream.indirect.scatter.add.f32 [tilespmem:s12], [sflag:$0x1], $0x20, s14, s13, $0xb8;
	[tilespmem:$0x198C0] =	vst v63  }
0x4f: {  	_ =	swait.ge [sflag:s11], $0x1000  }
0x50: {  	[sflag:s11] =	ssyncset.done $0x0  }
0x51: {  	[sflag:s11] =	ssyncadd.s32 $0xFFFFF000  }
0x52: {  	[spmem:s2] =	stream.indirect.scatter.add.f32 [tilespmem:s12], [sflag:$0x1], $0x20, s15, s13, $0xb8;
	[tilespmem:$0x198C0] =	vst v63  }
0x53: {  	_ =	swait.ge [sflag:s11], $0x1000  }
0x54: {  	s16 =	sadd.s32 $0x1, s16;
	[sflag:s11] =	ssyncset.done $0x0  }
0x55: {  	p0 =	sne.s32 s16, s8;
	[sflag:s11] =	ssyncadd.s32 $0xFFFFF000  }
.Ltmp1:
0x56: {  	[bflag:$0x0] =	sbarrier.arrive $0xFFFF;
	(pc) =	sbr.rel @p0 .LBB2_1-.Ltmp1, $4  }
0x57: {  	[hbm:s7], [sflag:s6] =	dma.local [spmem:s10], $0x30D8  }
0x58: {  	_ =	swait.ge [sflag:s11], $0x30D8  }
0x59: {  	[sflag:s11] =	ssyncset.done $0x0  }
0x5a: {  	[sflag:s11] =	ssyncadd.s32 $0xFFFFCF28  }
0x5b: {  	_ =	sfence.sel $0x180000  }
0x5c: {  	[bflag:$0x0] =	sbarrier.arrive $0xFFFF  }
0x5d: {  	p0 =	sne.s32 s1, $0x0;
	_ =	strace $0x90000047  }
0x5e: {  	s0 =	sadd.s32 @!p0 $0x100000, s0;
	[bflag:$0x2] =	sbarrier.arrive $0xFFFF  }
0x5f: {  	[sflag:s0] =	ssyncadd.tile.s32 @!p0 $0x1;
	_ =	shalt  }
.Lfunc_end2:
_tile_overlayer_lowered:
.L_overlay_start_2:
0x60: {  	(tag) =	ssettag $0x2  }
0x61: {  	s0 =	rddreg [dreg:$0x0];
	s2 =	stileid.u32  }
0x62: {  	s1 =	rddreg [dreg:$0x1];
	p0 =	sne.s32 s2, $0x0  }
0x63: {  	s3 =	rddreg [dreg:$0x2];
	[bflag:$0x3] =	sbarrier.arrive $0xFFFF;
	s2 =	simm.s32 @!p0 $0x1C01  }
0x64: {  	[timem:s3], [sflag:s2] =	dma.local @!p0 [hbm:s0], s1  }
0x65: {  	s0 =	simm.s32 @!p0 $0x1  }
0x66: {  	_ =	swait.ge @!p0 [sflag:s0], s1  }
0x67: {  	s1 =	ssub.s32 @!p0 $0x0, s1;
	[sflag:s0] =	ssyncset.done @!p0 $0x0  }
0x68: {  	[sflag:s0] =	ssyncadd.s32 @!p0 s1  }
0x69: {  	[bflag:$0x3] =	sbarrier.arrive $0xFFFF  }
0x6a: {  	_ =	shalt  }

</sc_bundles>
